<compile_context>
chip_gen: v7x
topology: tpu7x:2x2x1
jax: 0.10.2.dev20260603
libtpu: 0.0.44.dev20260713+nightly
codegen_flags: <defaults>
</compile_context>

<pallas_src>
import functools

import jax
import jax.numpy as jnp
from jax import lax
from jax.experimental import pallas as pl
from jax.experimental.pallas import tpu as pltpu
from jax.experimental.pallas import tpu_sc as plsc

_NUM_CLASSES = 1000
_NUM_GROUPS = 10
_COST = 0.05
_EPS = 1e-12
_BLOCK_B = 2048
_CPAD = 1024
_PER_W = _CPAD // 32


def _sc_gather(cls_hbm, al_hbm, mu_hbm, ah_out, w2_out, idx_v, al_v, mu_v, oa_v, ow_v):
    w = lax.axis_index("s") * 2 + lax.axis_index("c")
    base = w * _PER_W
    pltpu.sync_copy(cls_hbm.at[pl.ds(base, _PER_W)], idx_v)
    pltpu.sync_copy(al_hbm, al_v)
    pltpu.sync_copy(mu_hbm, mu_v)
    for j in range(_PER_W // 16):
        idx = idx_v[pl.ds(j * 16, 16)]
        al = al_v[...]
        mu = mu_v[...]
        a = al.at[idx].get(mode="promise_in_bounds")
        m = mu.at[idx].get(mode="promise_in_bounds")
        tenv = jnp.full((16,), float(_NUM_GROUPS), jnp.float32)
        epsv = jnp.full((16,), _EPS, jnp.float32)
        onev = jnp.full((16,), 1.0, jnp.float32)
        ah = jnp.maximum(a / tenv, epsv)
        oa_v[pl.ds(j * 16, 16)] = ah
        ow_v[pl.ds(j * 16, 16)] = onev / ah - m
    pltpu.sync_copy(oa_v, ah_out.at[pl.ds(base, _PER_W)])
    pltpu.sync_copy(ow_v, w2_out.at[pl.ds(base, _PER_W)])


def _gather_tables(class_to_group, alpha_group, mu_group):
    cls_p = jnp.pad(class_to_group, (0, _CPAD - _NUM_CLASSES))
    al_p = jnp.pad(alpha_group, (0, 16 - _NUM_GROUPS), constant_values=1.0)
    mu_p = jnp.pad(mu_group, (0, 16 - _NUM_GROUPS))
    mesh = plsc.VectorSubcoreMesh(core_axis_name="c", subcore_axis_name="s")
    k = functools.partial(
        pl.kernel,
        mesh=mesh,
        out_type=[
            jax.ShapeDtypeStruct((_CPAD,), jnp.float32),
            jax.ShapeDtypeStruct((_CPAD,), jnp.float32),
        ],
        scratch_types=[
            pltpu.VMEM((_PER_W,), jnp.int32),
            pltpu.VMEM((16,), jnp.float32),
            pltpu.VMEM((16,), jnp.float32),
            pltpu.VMEM((_PER_W,), jnp.float32),
            pltpu.VMEM((_PER_W,), jnp.float32),
        ],
    )(_sc_gather)
    ah, w2 = k(cls_p, al_p, mu_p)
    return ah[:_NUM_CLASSES].reshape(_NUM_CLASSES, 1), w2[:_NUM_CLASSES].reshape(_NUM_CLASSES, 1)


def _body(ah_ref, w2_ref, post_ref, pred_ref, rej_ref):
    ah = ah_ref[...]
    p = post_ref[...]
    thr = jax.lax.dot_general(
        w2_ref[...], p, (((0,), (0,)), ((), ())),
        preferred_element_type=jnp.float32,
    )
    rwd = p / ah
    mxd = jnp.max(rwd, axis=0, keepdims=True)
    iota_col = jax.lax.broadcasted_iota(jnp.int32, (_NUM_CLASSES, 1), 0)
    pred_ref[...] = jnp.min(
        jnp.where(rwd == mxd, iota_col, _NUM_CLASSES), axis=0, keepdims=True
    )
    rej_ref[...] = jnp.where(mxd < thr - _COST, 1, 0).astype(jnp.int32)


def kernel(posterior, class_to_group, alpha_group, mu_group):
    B, C = posterior.shape
    pt = posterior.T
    ah2, w22 = _gather_tables(class_to_group, alpha_group, mu_group)
    grid = (B // _BLOCK_B,)
    pred2, rej2 = pl.pallas_call(
        _body,
        grid=grid,
        in_specs=[
            pl.BlockSpec((C, 1), lambda i: (0, 0)),
            pl.BlockSpec((C, 1), lambda i: (0, 0)),
            pl.BlockSpec((C, _BLOCK_B), lambda i: (0, i)),
        ],
        out_specs=[
            pl.BlockSpec((1, _BLOCK_B), lambda i: (0, i)),
            pl.BlockSpec((1, _BLOCK_B), lambda i: (0, i)),
        ],
        out_shape=[
            jax.ShapeDtypeStruct((1, B), jnp.int32),
            jax.ShapeDtypeStruct((1, B), jnp.int32),
        ],
        compiler_params=pltpu.CompilerParams(
            dimension_semantics=("parallel",),
        ),
    )(ah2, w22, pt)
    return pred2.reshape(B), rej2.reshape(B).astype(bool)

# --- scband reference (transcript-rebuilt; emitter-appended) ---
"""Pipeline reference for scband-balanced-lt-rplugin-22308060136044 (READ-ONLY COPY).

The authoritative reference and input builder live on the scoring server;
editing this copy changes nothing except your own understanding.
"""

import jax, jax.numpy as jnp
import numpy as np

NUM_CLASSES = 1000
NUM_GROUPS = 10
BATCH = 16384
COST = 0.05

def setup_inputs(seed: int = 0) -> dict:
    key = jax.random.key(seed)
    k1, k2, k3 = jax.random.split(key, 3)
    posterior = jax.random.uniform(k1, (BATCH, NUM_CLASSES), dtype=jnp.float32)
    posterior = posterior / jnp.sum(posterior, axis=-1, keepdims=True)
    class_to_group = jnp.arange(NUM_CLASSES, dtype=jnp.int32) % NUM_GROUPS
    alpha_group = 0.5 + jax.random.uniform(k2, (NUM_GROUPS,), dtype=jnp.float32)
    mu_group = 0.1 * jax.random.normal(k3, (NUM_GROUPS,), dtype=jnp.float32)
    return {"posterior": posterior, "class_to_group": class_to_group, "alpha_group": alpha_group, "mu_group": mu_group}

def reference(posterior, class_to_group, alpha_group, mu_group):
    eps = 1e-12
    K = float(alpha_group.shape[0])
    alpha_hat_group = alpha_group / max(K, 1.0)
    # embedding-style gather: group params -> per-class params
    alpha_hat = jnp.clip(jnp.take(alpha_hat_group, class_to_group, axis=0), eps, None)
    mu = jnp.take(mu_group, class_to_group, axis=0)
    # predict()
    reweighted = posterior / alpha_hat[None, :]
    pred = jnp.argmax(reweighted, axis=-1)
    # reject()
    inv_alpha_hat = 1.0 / alpha_hat
    max_reweighted = jnp.max(posterior * inv_alpha_hat[None, :], axis=-1)
    threshold = jnp.sum((inv_alpha_hat - mu)[None, :] * posterior, axis=-1)
    rej = max_reweighted < (threshold - COST)
    return pred, rej

if __name__ == "__main__":
    import jax
    _d = setup_inputs()
    print(jax.jit(kernel)(*tuple(_d.values())))

</pallas_src>

<mosaic_0001>
#map = affine_map<(d0, d1) -> (0)>
module attributes {stable_mosaic.version = 14 : i64} {
  func.func @_sc_gather(%arg0: i32, %arg1: i32, %arg2: memref<1024xi32, #tpu.memory_space<hbm>>, %arg3: memref<16xf32, #tpu.memory_space<hbm>>, %arg4: memref<16xf32, #tpu.memory_space<hbm>>, %arg5: memref<1024xf32, #tpu.memory_space<hbm>>, %arg6: memref<1024xf32, #tpu.memory_space<hbm>>, %arg7: memref<32xi32, #tpu.memory_space<vmem>>, %arg8: memref<16xf32, #tpu.memory_space<vmem>>, %arg9: memref<16xf32, #tpu.memory_space<vmem>>, %arg10: memref<32xf32, #tpu.memory_space<vmem>>, %arg11: memref<32xf32, #tpu.memory_space<vmem>>) attributes {dimension_semantics = [#tpu.dimension_semantics<core_parallel>, #tpu.dimension_semantics<subcore_parallel>], iteration_bounds = array<i64: 2, 16>, scalar_prefetch = 0 : i64, scratch_operands = 5 : i64, tpu.core_type = #tpu.core_type<sc_vector_subcore>, window_params = [{transform_indices = #map}, {transform_indices = #map}, {transform_indices = #map}, {transform_indices = #map}, {transform_indices = #map}]} {
    %mul3A = arith.constant 2 : i32
    %mul3A_0 = arith.muli %arg1, %mul3A : i32
    %add3A = arith.addi %mul3A_0, %arg0 : i32
    %mul3A_1 = arith.constant 32 : i32
    %mul3A_2 = arith.muli %add3A, %mul3A_1 : i32
    "tpu.region"() ({
      %run_scoped3A = tpu.sem_alloc : memref<!tpu.dma_semaphore, #tpu.memory_space<semaphore_mem>>
      %dma_start3A = tpu.memref_slice %arg2[%mul3A_2] : memref<1024xi32, #tpu.memory_space<hbm>> -> memref<32xi32, #tpu.memory_space<hbm>>
      %dma_start3A_88 = tpu.memref_slice %arg2[%mul3A_2] : memref<1024xi32, #tpu.memory_space<hbm>> -> memref<32xi32, #tpu.memory_space<hbm>>
      tpu.enqueue_dma source(%dma_start3A_88 : memref<32xi32, #tpu.memory_space<hbm>>) target(%arg7 : memref<32xi32, #tpu.memory_space<vmem>>) target_semaphore(%run_scoped3A : memref<!tpu.dma_semaphore, #tpu.memory_space<semaphore_mem>>)
      %dma_wait3A = tpu.memref_slice %arg2[%mul3A_2] : memref<1024xi32, #tpu.memory_space<hbm>> -> memref<32xi32, #tpu.memory_space<hbm>>
      %dma_wait3A_89 = tpu.memref_slice %arg2[%mul3A_2] : memref<1024xi32, #tpu.memory_space<hbm>> -> memref<32xi32, #tpu.memory_space<hbm>>
      tpu.wait_dma2 semaphore(%run_scoped3A : memref<!tpu.dma_semaphore, #tpu.memory_space<semaphore_mem>>) src(%dma_wait3A_89 : memref<32xi32, #tpu.memory_space<hbm>>) dst(%arg7 : memref<32xi32, #tpu.memory_space<vmem>>)
      tpu.yield
    }) : () -> ()
    "tpu.region"() ({
      %run_scoped3A = tpu.sem_alloc : memref<!tpu.dma_semaphore, #tpu.memory_space<semaphore_mem>>
      tpu.enqueue_dma source(%arg3 : memref<16xf32, #tpu.memory_space<hbm>>) target(%arg8 : memref<16xf32, #tpu.memory_space<vmem>>) target_semaphore(%run_scoped3A : memref<!tpu.dma_semaphore, #tpu.memory_space<semaphore_mem>>)
      tpu.wait_dma2 semaphore(%run_scoped3A : memref<!tpu.dma_semaphore, #tpu.memory_space<semaphore_mem>>) src(%arg3 : memref<16xf32, #tpu.memory_space<hbm>>) dst(%arg8 : memref<16xf32, #tpu.memory_space<vmem>>)
      tpu.yield
    }) : () -> ()
    "tpu.region"() ({
      %run_scoped3A = tpu.sem_alloc : memref<!tpu.dma_semaphore, #tpu.memory_space<semaphore_mem>>
      tpu.enqueue_dma source(%arg4 : memref<16xf32, #tpu.memory_space<hbm>>) target(%arg9 : memref<16xf32, #tpu.memory_space<vmem>>) target_semaphore(%run_scoped3A : memref<!tpu.dma_semaphore, #tpu.memory_space<semaphore_mem>>)
      tpu.wait_dma2 semaphore(%run_scoped3A : memref<!tpu.dma_semaphore, #tpu.memory_space<semaphore_mem>>) src(%arg4 : memref<16xf32, #tpu.memory_space<hbm>>) dst(%arg9 : memref<16xf32, #tpu.memory_space<vmem>>)
      tpu.yield
    }) : () -> ()
    %get3A = arith.constant 0 : index
    %get3A_3 = tpu.vector_load %arg7[%get3A] {strides = array<i32>} : memref<32xi32, #tpu.memory_space<vmem>>, vector<16xi32>,
    %get3A_4 = vector.shape_cast %get3A_3 : vector<16xi32> to vector<16xi32>
    %get3A_5 = arith.constant 0 : index
    %get3A_6 = tpu.vector_load %arg8[%get3A_5] {strides = array<i32>} : memref<16xf32, #tpu.memory_space<vmem>>, vector<16xf32>,
    %get3A_7 = vector.shape_cast %get3A_6 : vector<16xf32> to vector<16xf32>
    %get3A_8 = arith.constant 0 : index
    %get3A_9 = tpu.vector_load %arg9[%get3A_8] {strides = array<i32>} : memref<16xf32, #tpu.memory_space<vmem>>, vector<16xf32>,
    %get3A_10 = vector.shape_cast %get3A_9 : vector<16xf32> to vector<16xf32>
    %lt3A = arith.constant 0 : i32
    %lt3A_11 = vector.broadcast %lt3A : i32 to vector<16xi32>
    %lt3A_12 = arith.cmpi slt, %get3A_4, %lt3A_11 : vector<16xi32>
    %add3A_13 = arith.constant 16 : i32
    %add3A_14 = vector.broadcast %add3A_13 : i32 to vector<16xi32>
    %add3A_15 = arith.addi %get3A_4, %add3A_14 : vector<16xi32>
    %select_n3A = arith.select %lt3A_12, %add3A_15, %get3A_4 : vector<16xi1>, vector<16xi32>
    %broadcast_in_dim3A = vector.shape_cast %select_n3A : vector<16xi32> to vector<16x1xi32>
    %gather3A = vector.shape_cast %broadcast_in_dim3A : vector<16x1xi32> to vector<16xi32>
    %gather3A_16 = tpu.dynamic_gather %get3A_7[%gather3A] in [0] : vector<16xf32>, vector<16xi32> -> vector<16xf32>
    %lt3A_17 = arith.constant 0 : i32
    %lt3A_18 = vector.broadcast %lt3A_17 : i32 to vector<16xi32>
    %lt3A_19 = arith.cmpi slt, %get3A_4, %lt3A_18 : vector<16xi32>
    %add3A_20 = arith.constant 16 : i32
    %add3A_21 = vector.broadcast %add3A_20 : i32 to vector<16xi32>
    %add3A_22 = arith.addi %get3A_4, %add3A_21 : vector<16xi32>
    %select_n3A_23 = arith.select %lt3A_19, %add3A_22, %get3A_4 : vector<16xi1>, vector<16xi32>
    %broadcast_in_dim3A_24 = vector.shape_cast %select_n3A_23 : vector<16xi32> to vector<16x1xi32>
    %gather3A_25 = vector.shape_cast %broadcast_in_dim3A_24 : vector<16x1xi32> to vector<16xi32>
    %gather3A_26 = tpu.dynamic_gather %get3A_10[%gather3A_25] in [0] : vector<16xf32>, vector<16xi32> -> vector<16xf32>
    %broadcast_in_dim3A_27 = arith.constant 1.000000e+01 : f32
    %broadcast_in_dim3A_28 = vector.broadcast %broadcast_in_dim3A_27 : f32 to vector<16xf32>
    %broadcast_in_dim3A_29 = arith.constant 9.99999996E-13 : f32
    %broadcast_in_dim3A_30 = vector.broadcast %broadcast_in_dim3A_29 : f32 to vector<16xf32>
    %broadcast_in_dim3A_31 = arith.constant 1.000000e+00 : f32
    %broadcast_in_dim3A_32 = vector.broadcast %broadcast_in_dim3A_31 : f32 to vector<16xf32>
    %div3A = arith.divf %gather3A_16, %broadcast_in_dim3A_28 : vector<16xf32>
    %max3A = arith.maximumf %div3A, %broadcast_in_dim3A_30 : vector<16xf32>
    %swap3A = arith.constant 0 : index
    %swap3A_33 = tpu.vector_load %arg10[%swap3A] {strides = array<i32>} : memref<32xf32, #tpu.memory_space<vmem>>, vector<16xf32>,
    %swap3A_34 = vector.shape_cast %swap3A_33 : vector<16xf32> to vector<16xf32>
    %swap3A_35 = vector.shape_cast %max3A : vector<16xf32> to vector<16xf32>
    tpu.vector_store %arg10[%swap3A], %swap3A_35 {strides = array<i32>} : memref<32xf32, #tpu.memory_space<vmem>>, vector<16xf32>,
    %div3A_36 = arith.divf %broadcast_in_dim3A_32, %max3A : vector<16xf32>
    %sub3A = arith.subf %div3A_36, %gather3A_26 : vector<16xf32>
    %swap3A_37 = arith.constant 0 : index
    %swap3A_38 = tpu.vector_load %arg11[%swap3A_37] {strides = array<i32>} : memref<32xf32, #tpu.memory_space<vmem>>, vector<16xf32>,
    %swap3A_39 = vector.shape_cast %swap3A_38 : vector<16xf32> to vector<16xf32>
    %swap3A_40 = vector.shape_cast %sub3A : vector<16xf32> to vector<16xf32>
    tpu.vector_store %arg11[%swap3A_37], %swap3A_40 {strides = array<i32>} : memref<32xf32, #tpu.memory_space<vmem>>, vector<16xf32>,
    %get3A_41 = arith.constant 16 : index
    %get3A_42 = tpu.vector_load %arg7[%get3A_41] {strides = array<i32>} : memref<32xi32, #tpu.memory_space<vmem>>, vector<16xi32>,
    %get3A_43 = vector.shape_cast %get3A_42 : vector<16xi32> to vector<16xi32>
    %get3A_44 = arith.constant 0 : index
    %get3A_45 = tpu.vector_load %arg8[%get3A_44] {strides = array<i32>} : memref<16xf32, #tpu.memory_space<vmem>>, vector<16xf32>,
    %get3A_46 = vector.shape_cast %get3A_45 : vector<16xf32> to vector<16xf32>
    %get3A_47 = arith.constant 0 : index
    %get3A_48 = tpu.vector_load %arg9[%get3A_47] {strides = array<i32>} : memref<16xf32, #tpu.memory_space<vmem>>, vector<16xf32>,
    %get3A_49 = vector.shape_cast %get3A_48 : vector<16xf32> to vector<16xf32>
    %lt3A_50 = arith.constant 0 : i32
    %lt3A_51 = vector.broadcast %lt3A_50 : i32 to vector<16xi32>
    %lt3A_52 = arith.cmpi slt, %get3A_43, %lt3A_51 : vector<16xi32>
    %add3A_53 = arith.constant 16 : i32
    %add3A_54 = vector.broadcast %add3A_53 : i32 to vector<16xi32>
    %add3A_55 = arith.addi %get3A_43, %add3A_54 : vector<16xi32>
    %select_n3A_56 = arith.select %lt3A_52, %add3A_55, %get3A_43 : vector<16xi1>, vector<16xi32>
    %broadcast_in_dim3A_57 = vector.shape_cast %select_n3A_56 : vector<16xi32> to vector<16x1xi32>
    %gather3A_58 = vector.shape_cast %broadcast_in_dim3A_57 : vector<16x1xi32> to vector<16xi32>
    %gather3A_59 = tpu.dynamic_gather %get3A_46[%gather3A_58] in [0] : vector<16xf32>, vector<16xi32> -> vector<16xf32>
    %lt3A_60 = arith.constant 0 : i32
    %lt3A_61 = vector.broadcast %lt3A_60 : i32 to vector<16xi32>
    %lt3A_62 = arith.cmpi slt, %get3A_43, %lt3A_61 : vector<16xi32>
    %add3A_63 = arith.constant 16 : i32
    %add3A_64 = vector.broadcast %add3A_63 : i32 to vector<16xi32>
    %add3A_65 = arith.addi %get3A_43, %add3A_64 : vector<16xi32>
    %select_n3A_66 = arith.select %lt3A_62, %add3A_65, %get3A_43 : vector<16xi1>, vector<16xi32>
    %broadcast_in_dim3A_67 = vector.shape_cast %select_n3A_66 : vector<16xi32> to vector<16x1xi32>
    %gather3A_68 = vector.shape_cast %broadcast_in_dim3A_67 : vector<16x1xi32> to vector<16xi32>
    %gather3A_69 = tpu.dynamic_gather %get3A_49[%gather3A_68] in [0] : vector<16xf32>, vector<16xi32> -> vector<16xf32>
    %broadcast_in_dim3A_70 = arith.constant 1.000000e+01 : f32
    %broadcast_in_dim3A_71 = vector.broadcast %broadcast_in_dim3A_70 : f32 to vector<16xf32>
    %broadcast_in_dim3A_72 = arith.constant 9.99999996E-13 : f32
    %broadcast_in_dim3A_73 = vector.broadcast %broadcast_in_dim3A_72 : f32 to vector<16xf32>
    %broadcast_in_dim3A_74 = arith.constant 1.000000e+00 : f32
    %broadcast_in_dim3A_75 = vector.broadcast %broadcast_in_dim3A_74 : f32 to vector<16xf32>
    %div3A_76 = arith.divf %gather3A_59, %broadcast_in_dim3A_71 : vector<16xf32>
    %max3A_77 = arith.maximumf %div3A_76, %broadcast_in_dim3A_73 : vector<16xf32>
    %swap3A_78 = arith.constant 16 : index
    %swap3A_79 = tpu.vector_load %arg10[%swap3A_78] {strides = array<i32>} : memref<32xf32, #tpu.memory_space<vmem>>, vector<16xf32>,
    %swap3A_80 = vector.shape_cast %swap3A_79 : vector<16xf32> to vector<16xf32>
    %swap3A_81 = vector.shape_cast %max3A_77 : vector<16xf32> to vector<16xf32>
    tpu.vector_store %arg10[%swap3A_78], %swap3A_81 {strides = array<i32>} : memref<32xf32, #tpu.memory_space<vmem>>, vector<16xf32>,
    %div3A_82 = arith.divf %broadcast_in_dim3A_75, %max3A_77 : vector<16xf32>
    %sub3A_83 = arith.subf %div3A_82, %gather3A_69 : vector<16xf32>
    %swap3A_84 = arith.constant 16 : index
    %swap3A_85 = tpu.vector_load %arg11[%swap3A_84] {strides = array<i32>} : memref<32xf32, #tpu.memory_space<vmem>>, vector<16xf32>,
    %swap3A_86 = vector.shape_cast %swap3A_85 : vector<16xf32> to vector<16xf32>
    %swap3A_87 = vector.shape_cast %sub3A_83 : vector<16xf32> to vector<16xf32>
    tpu.vector_store %arg11[%swap3A_84], %swap3A_87 {strides = array<i32>} : memref<32xf32, #tpu.memory_space<vmem>>, vector<16xf32>,
    "tpu.region"() ({
      %run_scoped3A = tpu.sem_alloc : memref<!tpu.dma_semaphore, #tpu.memory_space<semaphore_mem>>
      %dma_start3A = tpu.memref_slice %arg5[%mul3A_2] : memref<1024xf32, #tpu.memory_space<hbm>> -> memref<32xf32, #tpu.memory_space<hbm>>
      %dma_start3A_88 = tpu.memref_slice %arg5[%mul3A_2] : memref<1024xf32, #tpu.memory_space<hbm>> -> memref<32xf32, #tpu.memory_space<hbm>>
      tpu.enqueue_dma source(%arg10 : memref<32xf32, #tpu.memory_space<vmem>>) target(%dma_start3A_88 : memref<32xf32, #tpu.memory_space<hbm>>) target_semaphore(%run_scoped3A : memref<!tpu.dma_semaphore, #tpu.memory_space<semaphore_mem>>)
      %dma_wait3A = tpu.memref_slice %arg5[%mul3A_2] : memref<1024xf32, #tpu.memory_space<hbm>> -> memref<32xf32, #tpu.memory_space<hbm>>
      %dma_wait3A_89 = tpu.memref_slice %arg5[%mul3A_2] : memref<1024xf32, #tpu.memory_space<hbm>> -> memref<32xf32, #tpu.memory_space<hbm>>
      tpu.wait_dma2 semaphore(%run_scoped3A : memref<!tpu.dma_semaphore, #tpu.memory_space<semaphore_mem>>) src(%arg10 : memref<32xf32, #tpu.memory_space<vmem>>) dst(%dma_wait3A_89 : memref<32xf32, #tpu.memory_space<hbm>>)
      tpu.yield
    }) : () -> ()
    "tpu.region"() ({
      %run_scoped3A = tpu.sem_alloc : memref<!tpu.dma_semaphore, #tpu.memory_space<semaphore_mem>>
      %dma_start3A = tpu.memref_slice %arg6[%mul3A_2] : memref<1024xf32, #tpu.memory_space<hbm>> -> memref<32xf32, #tpu.memory_space<hbm>>
      %dma_start3A_88 = tpu.memref_slice %arg6[%mul3A_2] : memref<1024xf32, #tpu.memory_space<hbm>> -> memref<32xf32, #tpu.memory_space<hbm>>
      tpu.enqueue_dma source(%arg11 : memref<32xf32, #tpu.memory_space<vmem>>) target(%dma_start3A_88 : memref<32xf32, #tpu.memory_space<hbm>>) target_semaphore(%run_scoped3A : memref<!tpu.dma_semaphore, #tpu.memory_space<semaphore_mem>>)
      %dma_wait3A = tpu.memref_slice %arg6[%mul3A_2] : memref<1024xf32, #tpu.memory_space<hbm>> -> memref<32xf32, #tpu.memory_space<hbm>>
      %dma_wait3A_89 = tpu.memref_slice %arg6[%mul3A_2] : memref<1024xf32, #tpu.memory_space<hbm>> -> memref<32xf32, #tpu.memory_space<hbm>>
      tpu.wait_dma2 semaphore(%run_scoped3A : memref<!tpu.dma_semaphore, #tpu.memory_space<semaphore_mem>>) src(%arg11 : memref<32xf32, #tpu.memory_space<vmem>>) dst(%dma_wait3A_89 : memref<32xf32, #tpu.memory_space<hbm>>)
      tpu.yield
    }) : () -> ()
    return
  }
}

module attributes {stable_mosaic.version = 14 : i64} {
  func.func @_body(%arg0: i32, %arg1: memref<1000x1xf32, #tpu.memory_space<vmem>>, %arg2: memref<1000x1xf32, #tpu.memory_space<vmem>>, %arg3: memref<1000x2048xf32, #tpu.memory_space<vmem>>, %arg4: memref<1x2048xi32, #tpu.memory_space<vmem>>, %arg5: memref<1x2048xi32, #tpu.memory_space<vmem>>) attributes {dimension_semantics = [#tpu.dimension_semantics<parallel>], iteration_bounds = array<i64: 8>, scalar_prefetch = 0 : i64, scratch_operands = 0 : i64, tpu.core_type = #tpu.core_type<tc>, window_params = [{pipeline_mode = #tpu.pipeline_mode<synchronous>, transform_indices = @transform_0, window_bounds = array<i64: 1000, 1>}, {pipeline_mode = #tpu.pipeline_mode<synchronous>, transform_indices = @transform_1, window_bounds = array<i64: 1000, 1>}, {transform_indices = @transform_2, window_bounds = array<i64: 1000, 2048>}, {transform_indices = @transform_3, window_bounds = array<i64: 1, 2048>}, {transform_indices = @transform_4, window_bounds = array<i64: 1, 2048>}]} {
    %get3A = arith.constant 0 : index
    %get3A_0 = arith.constant 0 : index
    %get3A_1 = vector.load %arg1[%get3A, %get3A_0] : memref<1000x1xf32, #tpu.memory_space<vmem>>, vector<1000x1xf32>
    %get3A_2 = arith.constant 0 : index
    %get3A_3 = arith.constant 0 : index
    %get3A_4 = vector.load %arg3[%get3A_2, %get3A_3] : memref<1000x2048xf32, #tpu.memory_space<vmem>>, vector<1000x2048xf32>
    %get3A_5 = arith.constant 0 : index
    %get3A_6 = arith.constant 0 : index
    %get3A_7 = vector.load %arg2[%get3A_5, %get3A_6] : memref<1000x1xf32, #tpu.memory_space<vmem>>, vector<1000x1xf32>
    %dot_general3A = arith.constant dense<0.000000e+00> : vector<1x2048xf32>
    %dot_general3A_8 = tpu.matmul %get3A_7, %get3A_4, %dot_general3A {dimension_numbers = #tpu.dot_dimension_numbers<[0], [0], [1], [1], [0, 1, 1, 1], [], []>, transpose_lhs_hint = false} : vector<1000x1xf32>, vector<1000x2048xf32>, vector<1x2048xf32> -> vector<1x2048xf32>
    %div3A = vector.broadcast %get3A_1 : vector<1000x1xf32> to vector<1000x2048xf32>
    %div3A_9 = arith.divf %get3A_4, %div3A : vector<1000x2048xf32>
    %reduce_max3A = arith.constant dense<0xFF800000> : vector<2048xf32>
    %reduce_max3A_10 = vector.multi_reduction <maximumf>, %div3A_9, %reduce_max3A [0] : vector<1000x2048xf32> to vector<2048xf32>
    %broadcast_in_dim3A = vector.shape_cast %reduce_max3A_10 : vector<2048xf32> to vector<1x2048xf32>
    %iota3A = tpu.iota {dimensions = array<i32: 0>} : vector<1000x1xi32>
    %eq3A = vector.broadcast %broadcast_in_dim3A : vector<1x2048xf32> to vector<1000x2048xf32>
    %eq3A_11 = arith.cmpf oeq, %div3A_9, %eq3A : vector<1000x2048xf32>
    %jit3A = arith.constant 1000 : i32
    %broadcast_in_dim3A_12 = vector.shape_cast %iota3A : vector<1000x1xi32> to vector<1000x1xi32>
    %broadcast_in_dim3A_13 = vector.broadcast %broadcast_in_dim3A_12 : vector<1000x1xi32> to vector<1000x2048xi32>
    %broadcast_in_dim3A_14 = vector.broadcast %jit3A : i32 to vector<1000x2048xi32>
    %select_n3A = arith.select %eq3A_11, %broadcast_in_dim3A_13, %broadcast_in_dim3A_14 : vector<1000x2048xi1>, vector<1000x2048xi32>
    %reduce_min3A = arith.constant dense<2147483647> : vector<2048xi32>
    %reduce_min3A_15 = vector.multi_reduction <minsi>, %select_n3A, %reduce_min3A [0] : vector<1000x2048xi32> to vector<2048xi32>
    %broadcast_in_dim3A_16 = vector.shape_cast %reduce_min3A_15 : vector<2048xi32> to vector<1x2048xi32>
    %swap3A = arith.constant 0 : index
    %swap3A_17 = arith.constant 0 : index
    %swap3A_18 = vector.load %arg4[%swap3A, %swap3A_17] : memref<1x2048xi32, #tpu.memory_space<vmem>>, vector<1x2048xi32>
    tpu.vector_store %arg4[%swap3A, %swap3A_17], %broadcast_in_dim3A_16 {strides = array<i32>} : memref<1x2048xi32, #tpu.memory_space<vmem>>, vector<1x2048xi32>,
    %sub3A = arith.constant 5.000000e-02 : f32
    %sub3A_19 = vector.broadcast %sub3A : f32 to vector<1x2048xf32>
    %sub3A_20 = arith.subf %dot_general3A_8, %sub3A_19 : vector<1x2048xf32>
    %lt3A = arith.cmpf olt, %broadcast_in_dim3A, %sub3A_20 : vector<1x2048xf32>
    %jit3A_21 = arith.constant 1 : i32
    %jit3A_22 = arith.constant 0 : i32
    %broadcast_in_dim3A_23 = vector.broadcast %jit3A_21 : i32 to vector<1x2048xi32>
    %broadcast_in_dim3A_24 = vector.broadcast %jit3A_22 : i32 to vector<1x2048xi32>
    %select_n3A_25 = arith.select %lt3A, %broadcast_in_dim3A_23, %broadcast_in_dim3A_24 : vector<1x2048xi1>, vector<1x2048xi32>
    %swap3A_26 = arith.constant 0 : index
    %swap3A_27 = arith.constant 0 : index
    %swap3A_28 = vector.load %arg5[%swap3A_26, %swap3A_27] : memref<1x2048xi32, #tpu.memory_space<vmem>>, vector<1x2048xi32>
    tpu.vector_store %arg5[%swap3A_26, %swap3A_27], %select_n3A_25 {strides = array<i32>} : memref<1x2048xi32, #tpu.memory_space<vmem>>, vector<1x2048xi32>,
    return
  }
  func.func @transform_0(%arg0: i32) -> (i32, i32) {
    %c0_i32 = arith.constant 0 : i32
    %c0_i32_0 = arith.constant 0 : i32
    %c0_i32_1 = arith.constant 0 : i32
    return %c0_i32, %c0_i32_0 : i32, i32
  }
  func.func @transform_1(%arg0: i32) -> (i32, i32) {
    %c0_i32 = arith.constant 0 : i32
    %c0_i32_0 = arith.constant 0 : i32
    %c0_i32_1 = arith.constant 0 : i32
    return %c0_i32, %c0_i32_0 : i32, i32
  }
  func.func @transform_2(%arg0: i32) -> (i32, i32) {
    %c0_i32 = arith.constant 0 : i32
    %c0_i32_0 = arith.constant 0 : i32
    return %c0_i32, %arg0 : i32, i32
  }
  func.func @transform_3(%arg0: i32) -> (i32, i32) {
    %c0_i32 = arith.constant 0 : i32
    %c0_i32_0 = arith.constant 0 : i32
    return %c0_i32, %arg0 : i32, i32
  }
  func.func @transform_4(%arg0: i32) -> (i32, i32) {
    %c0_i32 = arith.constant 0 : i32
    %c0_i32_0 = arith.constant 0 : i32
    return %c0_i32, %arg0 : i32, i32
  }
}

</mosaic_0001>

<sc_bundles>
// kernel: kernel.4.cloned.1.call-start
scs
__scs_entry_jumppad:
0x0: {  	(pc) =	sbr.rel $0x88, $3  }
0x1: {  	(tag) =	ssettag $0x0;
	lr =	simm.s32 $0x1  }
0x2: {  	[smem:$0x3F9D] =	sst lr;
	_ =	strace $0xD0000000  }
0x3: {  	_ = 	snop  }
0x4: {  	_ = 	snop  }
0x5: {  	_ = 	snop  }
0x6: {  	_ = 	snop  }
0x7: {  	_ = 	snop  }
__scs_overlays_trampoline_lowered:
0x8: {  	[smem:$0x3FAC] =	sst s0  }
0x9: {  	[smem:$0x3FAD] =	sst s1  }
0xa: {  	[smem:$0x3FAE] =	sst s2  }
0xb: {  	[smem:$0x3FAF] =	sst s3  }
0xc: {  	[smem:$0x3FB0] =	sst s4  }
0xd: {  	[smem:$0x3FB1] =	sst s5  }
0xe: {  	[smem:$0x3FB2] =	sst s6  }
0xf: {  	[smem:$0x3FB3] =	sst s7  }
0x10: {  	[smem:$0x3FB4] =	sst s8  }
0x11: {  	[smem:$0x3FB5] =	sst s9;
	s0 =	simm.s32 @!p0 $0x0  }
0x12: {  	s1 =	sld [smem:$0x3F9B];
	s0 =	simm.s32 @p0 $0x1  }
0x13: {  	[smem:$0x3FB6] =	sst s0;
	s0 =	simm.s32 @!p1 $0x0  }
0x14: {  	s2 =	sld [smem:$0x3F9A];
	s0 =	simm.s32 @p1 $0x1  }
0x15: {  	[smem:$0x3FB7] =	sst s0;
	s0 =	simm.s32 @!p2 $0x0  }
0x16: {  	s3 =	sld [smem:$0x3FDB];
	s0 =	simm.s32 @p2 $0x1  }
0x17: {  	s4 =	simm.s32 $0x1BF5;
	[smem:$0x3FB9] =	sst s0  }
0x18: {  	s0 =	sld [smem:$0x3F9C];
	_ =	swait.ge [sflag:s4], $0x0  }
0x19: {  	s7 =	sld [smem:$0x3F9D]  }
0x1a: {  	s8 =	sadd.s32 $0xFFFFE003, lr  }
0x1b: {  	s9 =	sadd.s32 $0xFFFFFEF7, lr;
	s5 =	simm.s32 $0xFFFFFFFF;
	p2 =	slt.u32 s8, $0xFFFFF086  }
0x1c: {  	p1 =	slt.u32 s9, $0xF7A;
	s5 =	simm.s32 @!p2 $0x0  }
0x1d: {  	s5 =	simm.s32 @p1 $0x1;
	p0 =	seq.s32 s7, s2  }
0x1e: {  	s7 =	smul.u32 @!p0 $0xF7A, s2;
	p2 =	seq.s32 @!p0 s5, $0x0  }
0x1f: {  	s9 =	smul.u32 $0xF7A, s1;
	s8 =	simm.s32 @!p0 $0x1BF5;
	p2 =	por !p2, p0  }
0x20: {  	[sflag:s8] =	ssyncset.s32 @!p0 $0xFFFFF086;
	s6 =	sadd.s32 @!p0 s3, s7;
	s7 =	simm.s32 @!p0 $0x108  }
0x21: {  	s3 =	sadd.s32 s3, s9;
	s6 =	sadd.s32 @!p0 $0x88, s6;
	s7 =	simm.s32 @p2 $0x1082  }
0x22: {  	[simem:s7], [sflag:s8] =	dma.local @!p0 [hbm:s6], $0xF7A  }
0x23: {  	s9 =	sor.u32 $0xD0000000, s2;
	s6 =	simm.s32 $0x108;
	_ =	swait.ge @!p0 [sflag:s8], $0x0  }
0x24: {  	s3 =	sadd.s32 $0x88, s3;
	s6 =	simm.s32 @!p1 $0x1082;
	[sflag:s4] =	ssyncset.s32 $0xFFFFF086  }
0x25: {  	[simem:s6], [sflag:s4] =	dma.local [hbm:s3], $0xF7A  }
0x26: {  	[smem:$0x3F9D] =	sst s1;
	(tag) =	ssettag s2;
	_ =	strace s9  }
0x27: {  	s1 =	sld [smem:$0x3FAD]  }
0x28: {  	s2 =	sld [smem:$0x3FAE]  }
0x29: {  	s4 =	sld [smem:$0x3FB0]  }
0x2a: {  	p0 =	seq.s32 s5, $0x0;
	s5 =	sld [smem:$0x3FB1]  }
0x2b: {  	s6 =	sld [smem:$0x3FB2]  }
0x2c: {  	s7 =	sld [smem:$0x3FB3]  }
0x2d: {  	s3 =	simm.s32 $0x108;
	s8 =	sld [smem:$0x3FB4]  }
0x2e: {  	s3 =	simm.s32 @!p0 $0x1082;
	s9 =	sld [smem:$0x3FB5]  }
0x2f: {  	lr =	sadd.s32 s0, s3;
	s0 =	sld [smem:$0x3FAC]  }
0x30: {  	s3 =	sld [smem:$0x3FAF]  }
0x31: {  	[smem:$0x3FB8] =	sst s10  }
0x32: {  	s10 =	sld [smem:$0x3FB6];
	_ =	sdelay $0x3  }
0x33: {  	p0 =	seq.s32 s10, $0x1;
	s10 =	sld [smem:$0x3FB8];
	_ =	sdelay $0x3  }
0x34: {  	[smem:$0x3FB8] =	sst s10  }
0x35: {  	s10 =	sld [smem:$0x3FB7];
	_ =	sdelay $0x3  }
0x36: {  	p1 =	seq.s32 s10, $0x1;
	s10 =	sld [smem:$0x3FB8];
	_ =	sdelay $0x3  }
0x37: {  	[smem:$0x3FB8] =	sst s10  }
0x38: {  	s10 =	sld [smem:$0x3FB9]  }
0x39: {  	_ = 	snop;
	(pc) =	sbr.ind lr, $3  }
0x3a: {  	_ = 	snop  }
0x3b: {  	_ = 	snop  }
0x3c: {  	p2 =	seq.s32 s10, $0x1;
	s10 =	sld [smem:$0x3FB8]  }
0x3d: {  	_ =	shalt  }
0x3e: {  	_ =	shalt  }
0x3f: {  	_ =	shalt  }
0x40: {  	_ =	shalt  }
0x41: {  	_ =	shalt  }
0x42: {  	_ =	shalt  }
0x43: {  	_ =	shalt  }
0x44: {  	_ =	shalt  }
0x45: {  	_ =	shalt  }
0x46: {  	_ =	shalt  }
0x47: {  	_ =	shalt  }
0x48: {  	_ =	shalt  }
0x49: {  	_ =	shalt  }
0x4a: {  	_ =	shalt  }
0x4b: {  	_ =	shalt  }
0x4c: {  	_ =	shalt  }
0x4d: {  	_ =	shalt  }
0x4e: {  	_ =	shalt  }
0x4f: {  	_ =	shalt  }
0x50: {  	_ =	shalt  }
0x51: {  	_ =	shalt  }
0x52: {  	_ =	shalt  }
0x53: {  	_ =	shalt  }
0x54: {  	_ =	shalt  }
0x55: {  	_ =	shalt  }
0x56: {  	_ =	shalt  }
0x57: {  	_ =	shalt  }
0x58: {  	_ =	shalt  }
0x59: {  	_ =	shalt  }
0x5a: {  	_ =	shalt  }
0x5b: {  	_ =	shalt  }
0x5c: {  	_ =	shalt  }
0x5d: {  	_ =	shalt  }
0x5e: {  	_ =	shalt  }
0x5f: {  	_ =	shalt  }
0x60: {  	_ =	shalt  }
0x61: {  	_ =	shalt  }
0x62: {  	_ =	shalt  }
0x63: {  	_ =	shalt  }
0x64: {  	_ =	shalt  }
0x65: {  	_ =	shalt  }
0x66: {  	_ =	shalt  }
0x67: {  	_ =	shalt  }
0x68: {  	_ =	shalt  }
0x69: {  	_ =	shalt  }
0x6a: {  	_ =	shalt  }
0x6b: {  	_ =	shalt  }
0x6c: {  	_ =	shalt  }
0x6d: {  	_ =	shalt  }
0x6e: {  	_ =	shalt  }
0x6f: {  	_ =	shalt  }
0x70: {  	_ =	shalt  }
0x71: {  	_ =	shalt  }
0x72: {  	_ =	shalt  }
0x73: {  	_ =	shalt  }
0x74: {  	_ =	shalt  }
0x75: {  	_ =	shalt  }
0x76: {  	_ =	shalt  }
0x77: {  	_ =	shalt  }
0x78: {  	_ =	shalt  }
0x79: {  	_ =	shalt  }
0x7a: {  	_ =	shalt  }
0x7b: {  	_ =	shalt  }
0x7c: {  	_ =	shalt  }
0x7d: {  	_ =	shalt  }
0x7e: {  	_ =	shalt  }
0x7f: {  	_ =	shalt  }
0x80: {  	_ =	shalt  }
0x81: {  	_ =	shalt  }
0x82: {  	_ =	shalt  }
0x83: {  	_ =	shalt  }
0x84: {  	_ =	shalt  }
0x85: {  	_ =	shalt  }
0x86: {  	_ =	shalt  }
0x87: {  	_ =	shalt  }
.Lfunc_end0:
.L_simem_size_0:
called_computation_lowered:
.L_overlay_start_0:
0x88: {  	s2 =	sld [smem:$0x3FD9]  }
0x89: {  	s3 =	sld [smem:$0x3FFE];
	_ =	sdelay $0x1  }
0x8a: {  	s1 =	srdreg.scid  }
0x8b: {  	s0 =	sand.u32 $0x1, s1  }
0x8c: {  	s14 =	sshll.u32 s0, $0xA;
	s2 =	sadd.s32 s3, s2  }
0x8d: {  	s2 =	sadd.s32 s2, s14  }
0x8e: {  	[smem:$0x3FC4] =	sst s2  }
0x8f: {  	_ = 	snop  }
0x90: {  	s2 =	sld [smem:$0x3FD0];
	_ =	sdelay $0x2  }
0x91: {  	s15 =	simm.s32 $0xA;
	s4 =	simm.s32 $0x10  }
0x92: {  	[smem:s4], [sflag:s15] =	dma.local [hbm:s2], $0x1  }
0x93: {  	_ =	swait.eq [sflag:s15], $0x1  }
0x94: {  	[sflag:s15] =	ssyncset.done $0x0  }
0x95: {  	s16 =	sld [smem:$0x10];
	[sflag:s15] =	ssyncadd.s32 $0xFFFFFFFF  }
0x96: {  	s17 =	sld [smem:$0x11];
	(tm) =	ssettm $0x1  }
0x97: {  	s18 =	sld [smem:$0x3FFB];
	_ =	sdelay $0x3  }
0x98: {  	_ =	strace s18  }
0x99: {  	s4 =	sld [smem:$0x3FFC];
	_ =	sdelay $0x3  }
0x9a: {  	_ =	strace s4  }
0x9b: {  	s4 =	sld [smem:$0x3FFD];
	_ =	sdelay $0x3  }
0x9c: {  	_ =	strace s4  }
0x9d: {  	_ =	strace $0x8FFFFFFF  }
0x9e: {  	s19 =	sld [smem:$0x3FDB];
	_ =	sdelay $0x1  }
0x9f: {  	s5 =	simm.s32 $_scs_section_size  }
0xa0: {  	s6 =	simm.s32 $_size__tile_overlayer_lowered;
	s7 =	simm.s32 $_tile_overlayer_lowered  }
0xa1: {  	s22 =	simm.s32 $0x1BFF;
	s21 =	sshll.u32 s7, $0x1;
	s4 =	sadd.s32 s5, s19  }
0xa2: {  	s8 =	simm.s32 $0x0;
	s20 =	sshll.u32 s6, $0x1;
	s6 =	sadd.s32 s21, s4  }
0xa3: {  	[timem:s8], [sflag:s22] =	dma.local [hbm:s6], s20  }
0xa4: {  	_ =	swait.ge [sflag:s22], s20  }
0xa5: {  	s5 =	ssub.s32 $0x0, s20;
	[sflag:s22] =	ssyncset.done $0x0  }
0xa6: {  	[sflag:s22] =	ssyncadd.s32 s5;
	_ =	sdelay $0x1  }
0xa7: {  	s23 =	simm.s32 $0x1B8B  }
0xa8: {  	_ =	swait.ge [sflag:s23], $0x1  }
0xa9: {  	[sflag:s23] =	ssyncset.done $0x0  }
0xaa: {  	s25 =	simm.s32 $0x1B8E;
	s24 =	sld [smem:$0x3FFE];
	[sflag:s23] =	ssyncadd.s32 $0xFFFFFFFF  }
0xab: {  	s26 =	simm.s32 $execute0_lowered;
	[smem:$0x3FD2] =	sst s25  }
0xac: {  	s6 =	sshll.u32 s26, $0x1;
	_ =	strace $0x80000046;
	[dreg:$0x1] =	wrdreg $0xFFFFFFFF  }
0xad: {  	s28 =	simm.s32 $_size_execute0_lowered;
	s4 =	sadd.s32 s4, s6;
	[dreg:$0x0] =	wrdreg $0x0  }
0xae: {  	s6 =	sshll.u32 s28, $0x1;
	[dreg:$0x2] =	wrdreg s4  }
0xaf: {  	[dreg:$0x3] =	wrdreg s6  }
0xb0: {  	[dreg:$0x4] =	wrdreg $0xC0  }
0xb1: {  	_ =	task [dreg:s8], $0x5FFFF  }
0xb2: {  	[dreg:$0x1] =	wrdreg $0xFFFFFFFF  }
0xb3: {  	[dreg:$0x0] =	wrdreg $0x60  }
0xb4: {  	[dreg:$0x2] =	wrdreg s17  }
0xb5: {  	[dreg:$0x3] =	wrdreg s24  }
0xb6: {  	[dreg:$0x4] =	wrdreg s16  }
0xb7: {  	[dreg:$0x5] =	wrdreg $0x9  }
0xb8: {  	_ =	task.clear_ibuf [dreg:s8], $0x6FFFF;
	_ =	strace $0x90000046  }
0xb9: {  	s29 =	simm.s32 $0x9;
	_ =	strace $0x80000048  }
0xba: {  	_ =	swait.ge [sflag:s29], $0x1  }
0xbb: {  	[sflag:s29] =	ssyncadd.s32 $0xFFFFFFFF  }
0xbc: {  	_ =	strace $0x90000048  }
0xbd: {  	_ =	sfence  }
0xbe: {  	s30 =	sld [smem:$0x0];
	_ =	sdelay $0x2  }
0xbf: {  	s31 =	sshll.u32 s1, $0xD;
	s1 =	sshrl.u32 s1, $0x2  }
0xc0: {  	s3 =	sand.u32 $0x4000, s31;
	s1 =	sadd.s32 s1, s30  }
0xc1: {  	s0 =	sor.u32 s3, s0;
	s1 =	sshll.u32 s1, $0x11  }
0xc2: {  	s0 =	sor.u32 s1, s0  }
0xc3: {  	s0 =	sadd.s32 $0x8F2B, s0  }
0xc4: {  	[sflag:s0] =	ssyncadd.remote.s32 $0x1  }
0xc5: {  	_ =	sfence.sel $0xFFFF  }
0xc6: {  	[dreg:$0x0] =	wrdreg $0xFFFFFFFF;
	(pc) =	sbr.abs _section_cstart, $3  }
0xc7: {  	[dreg:$0x1] =	wrdreg $0xFFFFFFFF  }
0xc8: {  	_ =	task.clear_ibuf [dreg:s8], $0x2FFFF;
	_ =	strace $0x9FFFFFFF  }
0xc9: {  	(tm) =	ssettm $0x7FFFFFFF  }
tec
execute0_lowered:
.L_overlay_start_1:
0x0: {  	(tag) =	ssettag $0x1  }
0x1: {  	s3 =	rddreg [dreg:$0x0]  }
0x2: {  	s11 =	rddreg [dreg:$0x1]  }
0x3: {  	s9 =	rddreg [dreg:$0x2];
	s2 =	simm.s32 $0x0  }
0x4: {  	[smem:$0x7FF] =	sst s2  }
0x5: {  	s0 =	rddreg [dreg:$0x3];
	v0 =	vimm.f32 $1.000000000e+01;
	_ =	strace $0x80000047  }
0x6: {  	(erf) = vrcp.f32 v0;
	_ =	sdelay $0x3  }
0x7: {  	s4 =	srdreg.scid  }
0x8: {  	s1 =	stileid.u32;
	s10 =	sand.u32 $0x1, s4  }
0x9: {  	s31 =	sshll.u32 s1, $0x3;
	s5 =	sshll.u32 s10, $0x2  }
0xa: {  	s12 =	sor.u32 s5, s31  }
0xb: {  	s4 =	sadd.s32 s3, s12;
	s3 =	simm.s32 $0x1  }
0xc: {  	[tilespmem:s2], [sflag:$0x1] =	stream.linear.gather [hbm4b:s4+s2], $0x20, $0x38;
	v0 =	vpop (erf);
	[tilespmem:$0x280] =	vst v63  }
0xd: {  	_ =	swait.ge [sflag:s3], $0x20  }
0xe: {  	[sflag:s3] =	ssyncset.done $0x0  }
0xf: {  	s6 =	simm.s32 $0x80;
	s5 =	sadd.s32 $0x600, s11;
	[sflag:s3] =	ssyncadd.s32 $0xFFFFFFE0  }
0x10: {  	[tilespmem:s6], [sflag:$0x1] =	stream.linear.gather [hbm4b:s5+s2], $0x80, $0x38;
	[tilespmem:$0x280] =	vst v63  }
0x11: {  	_ =	swait.ge [sflag:s3], $0x80  }
0x12: {  	[sflag:s3] =	ssyncset.done $0x0  }
0x13: {  	s8 =	simm.s32 $0x100;
	s7 =	sadd.s32 $0x800, s11;
	[sflag:s3] =	ssyncadd.s32 $0xFFFFFF80  }
0x14: {  	[tilespmem:s8], [sflag:$0x1] =	stream.linear.gather [hbm4b:s7+s2], $0x80, $0x38;
	[tilespmem:$0x280] =	vst v63  }
0x15: {  	_ =	swait.ge [sflag:s3], $0x80  }
0x16: {  	[sflag:s3] =	ssyncset.done $0x0  }
0x17: {  	[sflag:s3] =	ssyncadd.s32 $0xFFFFFF80  }
0x18: {  	v1 =	vld [tilespmem:$0x80]  }
0x19: {  	v2 =	vld [tilespmem:$0x0]  }
0x1a: {  	v3 =	vld [tilespmem:$0x10]  }
0x1b: {  	v4 =	vld [tilespmem:$0x80];
	_ =	sdelay $0x2  }
0x1c: {  	v2 =	vand.u32 $0xF, v2  }
0x1d: {  	v3 =	vand.u32 $0xF, v3;
	v1 =	vperm.xlane v1, v2  }
0x1e: {  	v4 =	vperm.xlane v4, v3  }
0x1f: {  	v1 =	vmul.f32 v1, v0  }
0x20: {  	v4 =	vmul.f32 v4, v0  }
0x21: {  	v1 =	vmax.f32 v1, $9.999999960e-13  }
0x22: {  	v4 =	vmax.f32 v4, $9.999999960e-13;
	(erf) = vrcp.f32 v1  }
0x23: {  	v5 =	vld [tilespmem:$0x100];
	(erf) = vrcp.f32 v4;
	_ =	sdelay $0x2  }
0x24: {  	v6 =	vld [tilespmem:$0x100];
	_ =	sdelay $0x1  }
0x25: {  	v2 =	vperm.xlane v5, v2;
	_ =	sdelay $0x1  }
0x26: {  	s10 =	ssub.s32 $0x2, s10  }
0x27: {  	s13 =	sshrl.u32 s10, $0x1;
	v3 =	vperm.xlane v6, v3;
	v63 =	vpop (erf)  }
0x28: {  	s13 =	ssub.s32 s10, s13;
	[tilespmem:$0x180] =	vst v1;
	v1 =	vsub.f32 v63, v2;
	v2 =	vpop (erf)  }
0x29: {  	s13 =	smax.u32 s13, $0x1;
	[tilespmem:$0x190] =	vst v4;
	v2 =	vsub.f32 v2, v3  }
0x2a: {  	p0 =	sne.s32 s13, $0x1;
	[tilespmem:$0x200] =	vst v1  }
.Ltmp0:
0x2b: {  	s9 =	sadd.s32 s9, s12;
	s10 =	simm.s32 $0x180;
	[tilespmem:$0x210] =	vst v2;
	(pc) =	sbr.rel @!p0 .LBB2_2-.Ltmp0, $4  }
0x2c: {  	[hbm4b:s9+s2] =	stream.linear.scatter [tilespmem:s10], [sflag:$0x1], $0x20, $0x38;
	[tilespmem:$0x280] =	vst v63  }
0x2d: {  	_ =	swait.ge [sflag:s3], $0x20  }
0x2e: {  	s11 =	sadd.s32 s12, s11;
	s12 =	simm.s32 $0x200;
	[sflag:s3] =	ssyncset.done $0x0  }
0x2f: {  	s11 =	sadd.s32 $0xA00, s11;
	s13 =	sadd.s32 $0xFFFFFFFF, s13;
	[sflag:s3] =	ssyncadd.s32 $0xFFFFFFE0  }
.LBB2_1:
0x30: {  	[hbm4b:s11+s2] =	stream.linear.scatter [tilespmem:s12], [sflag:$0x1], $0x20, $0x38;
	[tilespmem:$0x280] =	vst v63  }
0x31: {  	p0 =	sne.s32 s13, $0x1;
	s13 =	sadd.s32 $0xFFFFFFFF, s13;
	_ =	swait.ge [sflag:s3], $0x20  }
0x32: {  	[sflag:s3] =	ssyncset.done $0x0  }
0x33: {  	[sflag:s3] =	ssyncadd.s32 $0xFFFFFFE0  }
0x34: {  	[tilespmem:s2], [sflag:$0x1] =	stream.linear.gather [hbm4b:s4+s2], $0x20, $0x38;
	[tilespmem:$0x280] =	vst v63  }
0x35: {  	_ =	swait.ge [sflag:s3], $0x20  }
0x36: {  	[sflag:s3] =	ssyncset.done $0x0  }
0x37: {  	[sflag:s3] =	ssyncadd.s32 $0xFFFFFFE0  }
0x38: {  	[tilespmem:s6], [sflag:$0x1] =	stream.linear.gather [hbm4b:s5+s2], $0x80, $0x38;
	[tilespmem:$0x280] =	vst v63  }
0x39: {  	_ =	swait.ge [sflag:s3], $0x80  }
0x3a: {  	[sflag:s3] =	ssyncset.done $0x0  }
0x3b: {  	[sflag:s3] =	ssyncadd.s32 $0xFFFFFF80  }
0x3c: {  	[tilespmem:s8], [sflag:$0x1] =	stream.linear.gather [hbm4b:s7+s2], $0x80, $0x38;
	[tilespmem:$0x280] =	vst v63  }
0x3d: {  	_ =	swait.ge [sflag:s3], $0x80  }
0x3e: {  	[sflag:s3] =	ssyncset.done $0x0  }
0x3f: {  	[sflag:s3] =	ssyncadd.s32 $0xFFFFFF80  }
0x40: {  	v1 =	vld [tilespmem:$0x80]  }
0x41: {  	v2 =	vld [tilespmem:$0x0]  }
0x42: {  	v3 =	vld [tilespmem:$0x10]  }
0x43: {  	v4 =	vld [tilespmem:$0x80];
	_ =	sdelay $0x2  }
0x44: {  	v2 =	vand.u32 $0xF, v2  }
0x45: {  	v1 =	vperm.xlane v1, v2;
	v3 =	vand.u32 $0xF, v3  }
0x46: {  	v4 =	vperm.xlane v4, v3  }
0x47: {  	v1 =	vmul.f32 v1, v0  }
0x48: {  	v4 =	vmul.f32 v4, v0  }
0x49: {  	v1 =	vmax.f32 v1, $9.999999960e-13  }
0x4a: {  	[tilespmem:$0x180] =	vst v1;
	v4 =	vmax.f32 v4, $9.999999960e-13;
	(erf) = vrcp.f32 v1  }
0x4b: {  	[tilespmem:$0x190] =	vst v4;
	(erf) = vrcp.f32 v4  }
0x4c: {  	v1 =	vld [tilespmem:$0x100]  }
0x4d: {  	v4 =	vld [tilespmem:$0x100];
	_ =	sdelay $0x4  }
0x4e: {  	v1 =	vperm.xlane v1, v3;
	v2 =	vperm.xlane v4, v2  }
0x4f: {  	v3 =	vpop (erf)  }
0x50: {  	v2 =	vsub.f32 v3, v2;
	v3 =	vpop (erf)  }
0x51: {  	v1 =	vsub.f32 v3, v1  }
0x52: {  	[tilespmem:$0x200] =	vst v2  }
.Ltmp1:
0x53: {  	[tilespmem:$0x210] =	vst v1;
	(pc) =	sbr.rel @p0 .LBB2_1-.Ltmp1, $4  }
0x54: {  	[hbm4b:s9+s2] =	stream.linear.scatter [tilespmem:s10], [sflag:$0x1], $0x20, $0x38;
	[tilespmem:$0x280] =	vst v63  }
0x55: {  	_ =	swait.ge [sflag:s3], $0x20  }
0x56: {  	[sflag:s3] =	ssyncset.done $0x0  }
0x57: {  	[sflag:s3] =	ssyncadd.s32 $0xFFFFFFE0  }
.LBB2_2:
0x58: {  	[hbm4b:s11+s2] =	stream.linear.scatter [tilespmem:s12], [sflag:$0x1], $0x20, $0x38;
	[tilespmem:$0x280] =	vst v63  }
0x59: {  	_ =	swait.ge [sflag:s3], $0x20  }
0x5a: {  	[sflag:s3] =	ssyncset.done $0x0  }
0x5b: {  	[sflag:s3] =	ssyncadd.s32 $0xFFFFFFE0  }
0x5c: {  	_ =	sfence.sel $0x180000  }
0x5d: {  	[bflag:$0x0] =	sbarrier.arrive $0xFFFF  }
0x5e: {  	p0 =	sne.s32 s1, $0x0;
	_ =	strace $0x90000047  }
0x5f: {  	s0 =	sadd.s32 @!p0 $0x100000, s0;
	[bflag:$0x2] =	sbarrier.arrive $0xFFFF  }
0x60: {  	[sflag:s0] =	ssyncadd.tile.s32 @!p0 $0x1;
	_ =	shalt  }
.Lfunc_end2:
_tile_overlayer_lowered:
.L_overlay_start_2:
0x61: {  	(tag) =	ssettag $0x2  }
0x62: {  	s0 =	rddreg [dreg:$0x0];
	s2 =	stileid.u32  }
0x63: {  	s1 =	rddreg [dreg:$0x1];
	p0 =	sne.s32 s2, $0x0  }
0x64: {  	s3 =	rddreg [dreg:$0x2];
	[bflag:$0x3] =	sbarrier.arrive $0xFFFF;
	s2 =	simm.s32 @!p0 $0x1C01  }
0x65: {  	[timem:s3], [sflag:s2] =	dma.local @!p0 [hbm:s0], s1  }
0x66: {  	s0 =	simm.s32 @!p0 $0x1  }
0x67: {  	_ =	swait.ge @!p0 [sflag:s0], s1  }
0x68: {  	s1 =	ssub.s32 @!p0 $0x0, s1;
	[sflag:s0] =	ssyncset.done @!p0 $0x0  }
0x69: {  	[sflag:s0] =	ssyncadd.s32 @!p0 s1  }
0x6a: {  	[bflag:$0x3] =	sbarrier.arrive $0xFFFF  }
0x6b: {  	_ =	shalt  }

</sc_bundles>
